<compile_context>
chip_gen: v7x
topology: tpu7x:2x2x1
jax: 0.10.2.dev20260603
libtpu: 0.0.44.dev20260713+nightly
codegen_flags: <defaults>
</compile_context>

<pallas_src>
import functools

import jax
import jax.numpy as jnp
from jax import lax
from jax.experimental import pallas as pl
from jax.experimental.pallas import tpu as pltpu
from jax.experimental.pallas import tpu_sc as plsc

_NBUF = 5
_K = 3


def _embed_body(seq, nb, nbatch, xt_hbm, table_hbm, out_hbm,
                idx_v, *bufs_and_sems):
    rows = bufs_and_sems[:_NBUF]
    gsem = bufs_and_sems[_NBUF:2 * _NBUF]
    wsem = bufs_and_sems[2 * _NBUF:3 * _NBUF]

    wid = lax.axis_index("s") * 2 + lax.axis_index("c")
    base = wid * nb
    pltpu.sync_copy(xt_hbm.at[:, pl.ds(base, nb)], idx_v)

    def start_gather(g, b):
        pltpu.async_copy(table_hbm.at[idx_v.at[g]], rows[b], gsem[b])

    def wait_gather(g, b):
        pltpu.make_async_copy(
            table_hbm.at[idx_v.at[g]], rows[b], gsem[b]).wait()

    def start_write(g, b):
        pltpu.async_copy(
            rows[b], out_hbm.at[pl.ds(g * nbatch + base, nb)], wsem[b])

    def wait_write(g, b):
        pltpu.make_async_copy(
            rows[b], out_hbm.at[pl.ds(g * nbatch + base, nb)],
            wsem[b]).wait()

    for b in range(_K):
        start_gather(b, b)

    ngroups = seq // _NBUF

    def group(go, _):
        for b in range(_NBUF):
            g = go * _NBUF + b
            nxt = (b + _K) % _NBUF
            @pl.when((g + _K < seq) & (g >= _NBUF - _K))
            def _():
                wait_write(g + _K - _NBUF, nxt)

            @pl.when(g + _K < seq)
            def _():
                start_gather(g + _K, nxt)

            wait_gather(g, b)
            start_write(g, b)
        return 0

    lax.fori_loop(0, ngroups, group, 0)

    for b in range(_NBUF):
        wait_write(seq - _NBUF + b, b)


@functools.partial(jax.jit, static_argnames=("nbatch", "seq", "d"))
def _embed(xt, table, nbatch, seq, d):
    info = plsc.get_sparse_core_info()
    nw = info.num_cores * info.num_subcores
    nb = nbatch // nw
    mesh = plsc.VectorSubcoreMesh(core_axis_name="c", subcore_axis_name="s")
    kfn = pl.kernel(
        functools.partial(_embed_body, seq, nb, nbatch),
        mesh=mesh,
        out_type=jax.ShapeDtypeStruct((seq * nbatch, d), jnp.float32),
        scratch_types=(
            [pltpu.VMEM((seq, nb), jnp.int32)]
            + [pltpu.VMEM((nb, d), jnp.float32) for _ in range(_NBUF)]
            + [pltpu.SemaphoreType.DMA for _ in range(2 * _NBUF)]
        ),
    )
    return kfn(xt, table)


def kernel(x, table):
    nbatch, seq = x.shape
    d = table.shape[1]
    xt = jnp.transpose(x).astype(jnp.int32)
    out = _embed(xt, table, nbatch, seq, d)
    return jnp.transpose(jnp.reshape(out, (seq, nbatch, d)), (1, 0, 2))

# --- scband reference (transcript-rebuilt; emitter-appended) ---
"""Pipeline reference for scband-text-embed-58978490908677 (READ-ONLY COPY).

The authoritative reference and input builder live on the scoring server;
editing this copy changes nothing except your own understanding.
"""

import jax, jax.numpy as jnp
import numpy as np


def setup_inputs(seed: int = 0) -> dict:
    key = jax.random.key(seed)
    k1, k2 = jax.random.split(key)
    x = jax.random.randint(k1, (4096, 50), 0, 100000, dtype=jnp.int64 if jax.config.jax_enable_x64 else jnp.int32)
    table = jax.random.normal(k2, (100000, 128), dtype=jnp.float32)
    return {"x": x, "table": table}


def reference(x, table):
    # nn.Embedding forward: row gather from the embedding table
    return jnp.take(table, x, axis=0)

if __name__ == "__main__":
    import jax
    _d = setup_inputs()
    print(jax.jit(kernel)(*tuple(_d.values())))

</pallas_src>

<mosaic_0001>
#map = affine_map<(d0, d1) -> (0, 0)>
module attributes {stable_mosaic.version = 14 : i64} {
  func.func @_embed_body(%arg0: i32, %arg1: i32, %arg2: memref<50x4096xi32, #tpu.memory_space<hbm>>, %arg3: memref<100000x128xf32, #tpu.memory_space<hbm>>, %arg4: memref<204800x128xf32, #tpu.memory_space<hbm>>, %arg5: memref<50x128xi32, #tpu.memory_space<vmem>>, %arg6: memref<128x128xf32, #tpu.memory_space<vmem>>, %arg7: memref<128x128xf32, #tpu.memory_space<vmem>>, %arg8: memref<128x128xf32, #tpu.memory_space<vmem>>, %arg9: memref<128x128xf32, #tpu.memory_space<vmem>>, %arg10: memref<128x128xf32, #tpu.memory_space<vmem>>, %arg11: memref<!tpu.dma_semaphore, #tpu.memory_space<semaphore_mem>>, %arg12: memref<!tpu.dma_semaphore, #tpu.memory_space<semaphore_mem>>, %arg13: memref<!tpu.dma_semaphore, #tpu.memory_space<semaphore_mem>>, %arg14: memref<!tpu.dma_semaphore, #tpu.memory_space<semaphore_mem>>, %arg15: memref<!tpu.dma_semaphore, #tpu.memory_space<semaphore_mem>>, %arg16: memref<!tpu.dma_semaphore, #tpu.memory_space<semaphore_mem>>, %arg17: memref<!tpu.dma_semaphore, #tpu.memory_space<semaphore_mem>>, %arg18: memref<!tpu.dma_semaphore, #tpu.memory_space<semaphore_mem>>, %arg19: memref<!tpu.dma_semaphore, #tpu.memory_space<semaphore_mem>>, %arg20: memref<!tpu.dma_semaphore, #tpu.memory_space<semaphore_mem>>) attributes {dimension_semantics = [#tpu.dimension_semantics<core_parallel>, #tpu.dimension_semantics<subcore_parallel>], iteration_bounds = array<i64: 2, 16>, scalar_prefetch = 0 : i64, scratch_operands = 16 : i64, tpu.core_type = #tpu.core_type<sc_vector_subcore>, window_params = [{transform_indices = #map}, {transform_indices = #map}, {transform_indices = #map}]} {
    %mul3A = arith.constant 2 : i32
    %mul3A_0 = arith.muli %arg1, %mul3A : i32
    %add3A = arith.addi %mul3A_0, %arg0 : i32
    %mul3A_1 = arith.constant 128 : i32
    %mul3A_2 = arith.muli %add3A, %mul3A_1 : i32
    "tpu.region"() ({
      %run_scoped3A = tpu.sem_alloc : memref<!tpu.dma_semaphore, #tpu.memory_space<semaphore_mem>>
      %dma_start3A_58 = arith.constant 0 : i32
      %dma_start3A_59 = tpu.memref_slice %arg2[%dma_start3A_58, %mul3A_2] : memref<50x4096xi32, #tpu.memory_space<hbm>> -> memref<50x128xi32, #tpu.memory_space<hbm>>
      %dma_start3A_60 = arith.constant 0 : i32
      %dma_start3A_61 = tpu.memref_slice %arg2[%dma_start3A_60, %mul3A_2] : memref<50x4096xi32, #tpu.memory_space<hbm>> -> memref<50x128xi32, #tpu.memory_space<hbm>>
      tpu.enqueue_dma source(%dma_start3A_61 : memref<50x128xi32, #tpu.memory_space<hbm>>) target(%arg5 : memref<50x128xi32, #tpu.memory_space<vmem>>) target_semaphore(%run_scoped3A : memref<!tpu.dma_semaphore, #tpu.memory_space<semaphore_mem>>)
      %dma_wait3A_62 = arith.constant 0 : i32
      %dma_wait3A_63 = tpu.memref_slice %arg2[%dma_wait3A_62, %mul3A_2] : memref<50x4096xi32, #tpu.memory_space<hbm>> -> memref<50x128xi32, #tpu.memory_space<hbm>>
      %dma_wait3A_64 = arith.constant 0 : i32
      %dma_wait3A_65 = tpu.memref_slice %arg2[%dma_wait3A_64, %mul3A_2] : memref<50x4096xi32, #tpu.memory_space<hbm>> -> memref<50x128xi32, #tpu.memory_space<hbm>>
      tpu.wait_dma2 semaphore(%run_scoped3A : memref<!tpu.dma_semaphore, #tpu.memory_space<semaphore_mem>>) src(%dma_wait3A_65 : memref<50x128xi32, #tpu.memory_space<hbm>>) dst(%arg5 : memref<50x128xi32, #tpu.memory_space<vmem>>)
      tpu.yield
    }) : () -> ()
    %dma_start3A = arith.constant 0 : i32
    %dma_start3A_3 = arith.constant 0 : i32
    %dma_start3A_4 = tpu.memref_slice %arg5[%dma_start3A, %dma_start3A_3] : memref<50x128xi32, #tpu.memory_space<vmem>> -> memref<1x128xi32, #tpu.memory_space<vmem>>
    %dma_start3A_5 = tpu.memref_squeeze %dma_start3A_4 : memref<1x128xi32, #tpu.memory_space<vmem>> -> memref<128xi32, #tpu.memory_space<vmem>>
    %dma_start3A_6 = arith.constant 0 : i32
    %dma_start3A_7 = arith.constant 0 : i32
    %dma_start3A_8 = tpu.memref_slice %arg3[%dma_start3A_6, %dma_start3A_7] : memref<100000x128xf32, #tpu.memory_space<hbm>> -> memref<100000x128xf32, #tpu.memory_space<hbm>>
    tpu.enqueue_indirect_dma source(%dma_start3A_8 : memref<100000x128xf32, #tpu.memory_space<hbm>>) target(%arg6 : memref<128x128xf32, #tpu.memory_space<vmem>>) offsets(%dma_start3A_5 : memref<128xi32, #tpu.memory_space<vmem>>) semaphore(%arg11 : memref<!tpu.dma_semaphore, #tpu.memory_space<semaphore_mem>>)
    %dma_start3A_9 = arith.constant 1 : i32
    %dma_start3A_10 = arith.constant 0 : i32
    %dma_start3A_11 = tpu.memref_slice %arg5[%dma_start3A_9, %dma_start3A_10] : memref<50x128xi32, #tpu.memory_space<vmem>> -> memref<1x128xi32, #tpu.memory_space<vmem>>
    %dma_start3A_12 = tpu.memref_squeeze %dma_start3A_11 : memref<1x128xi32, #tpu.memory_space<vmem>> -> memref<128xi32, #tpu.memory_space<vmem>>
    %dma_start3A_13 = arith.constant 0 : i32
    %dma_start3A_14 = arith.constant 0 : i32
    %dma_start3A_15 = tpu.memref_slice %arg3[%dma_start3A_13, %dma_start3A_14] : memref<100000x128xf32, #tpu.memory_space<hbm>> -> memref<100000x128xf32, #tpu.memory_space<hbm>>
    tpu.enqueue_indirect_dma source(%dma_start3A_15 : memref<100000x128xf32, #tpu.memory_space<hbm>>) target(%arg7 : memref<128x128xf32, #tpu.memory_space<vmem>>) offsets(%dma_start3A_12 : memref<128xi32, #tpu.memory_space<vmem>>) semaphore(%arg12 : memref<!tpu.dma_semaphore, #tpu.memory_space<semaphore_mem>>)
    %dma_start3A_16 = arith.constant 2 : i32
    %dma_start3A_17 = arith.constant 0 : i32
    %dma_start3A_18 = tpu.memref_slice %arg5[%dma_start3A_16, %dma_start3A_17] : memref<50x128xi32, #tpu.memory_space<vmem>> -> memref<1x128xi32, #tpu.memory_space<vmem>>
    %dma_start3A_19 = tpu.memref_squeeze %dma_start3A_18 : memref<1x128xi32, #tpu.memory_space<vmem>> -> memref<128xi32, #tpu.memory_space<vmem>>
    %dma_start3A_20 = arith.constant 0 : i32
    %dma_start3A_21 = arith.constant 0 : i32
    %dma_start3A_22 = tpu.memref_slice %arg3[%dma_start3A_20, %dma_start3A_21] : memref<100000x128xf32, #tpu.memory_space<hbm>> -> memref<100000x128xf32, #tpu.memory_space<hbm>>
    tpu.enqueue_indirect_dma source(%dma_start3A_22 : memref<100000x128xf32, #tpu.memory_space<hbm>>) target(%arg8 : memref<128x128xf32, #tpu.memory_space<vmem>>) offsets(%dma_start3A_19 : memref<128xi32, #tpu.memory_space<vmem>>) semaphore(%arg13 : memref<!tpu.dma_semaphore, #tpu.memory_space<semaphore_mem>>)
    %scan3A = arith.constant 0 : i32
    %scan3A_23 = arith.constant 0 : i32
    %scan3A_24 = arith.constant 10 : i32
    %scan3A_25 = arith.addi %scan3A_23, %scan3A_24 : i32
    %scan3A_26 = arith.constant 1 : i32
    %scan3A_27 = scf.for %scan3A_58 = %scan3A_23 to %scan3A_25 step %scan3A_26 iter_args(%scan3A_59 = %scan3A) -> (i32)  : i32 {
      %mul3A_60 = arith.constant 5 : i32
      %mul3A_61 = arith.muli %scan3A_58, %mul3A_60 : i32
      %add3A_62 = arith.constant 0 : i32
      %add3A_63 = arith.addi %mul3A_61, %add3A_62 : i32
      %add3A_64 = arith.constant 3 : i32
      %add3A_65 = arith.addi %add3A_63, %add3A_64 : i32
      %lt3A = arith.constant 50 : i32
      %lt3A_66 = arith.cmpi slt, %add3A_65, %lt3A : i32
      %ge3A = arith.constant 2 : i32
      %ge3A_67 = arith.cmpi sge, %add3A_63, %ge3A : i32
      %and3A = arith.andi %lt3A_66, %ge3A_67 : i1
      %convert_element_type3A = arith.extui %and3A : i1 to i32
      %cond3A = arith.constant 0 : i32
      %cond3A_68 = arith.cmpi ne, %convert_element_type3A, %cond3A : i32
      scf.if %cond3A_68 {
        %add3A_226 = arith.constant 3 : i32
        %add3A_227 = arith.addi %add3A_63, %add3A_226 : i32
        %sub3A = arith.constant 5 : i32
        %sub3A_228 = arith.subi %add3A_227, %sub3A : i32
        %mul3A_229 = arith.constant 4096 : i32
        %mul3A_230 = arith.muli %sub3A_228, %mul3A_229 : i32
        %add3A_231 = arith.addi %mul3A_230, %mul3A_2 : i32
        %dma_wait3A_232 = arith.constant 0 : i32
        %dma_wait3A_233 = tpu.memref_slice %arg4[%add3A_231, %dma_wait3A_232] : memref<204800x128xf32, #tpu.memory_space<hbm>> -> memref<128x128xf32, #tpu.memory_space<hbm>>
        %dma_wait3A_234 = arith.constant 0 : i32
        %dma_wait3A_235 = tpu.memref_slice %arg4[%add3A_231, %dma_wait3A_234] : memref<204800x128xf32, #tpu.memory_space<hbm>> -> memref<128x128xf32, #tpu.memory_space<hbm>>
        tpu.wait_dma2 semaphore(%arg19 : memref<!tpu.dma_semaphore, #tpu.memory_space<semaphore_mem>>) src(%arg9 : memref<128x128xf32, #tpu.memory_space<vmem>>) dst(%dma_wait3A_235 : memref<128x128xf32, #tpu.memory_space<hbm>>)
      } else {
      }
      %add3A_69 = arith.constant 3 : i32
      %add3A_70 = arith.addi %add3A_63, %add3A_69 : i32
      %lt3A_71 = arith.constant 50 : i32
      %lt3A_72 = arith.cmpi slt, %add3A_70, %lt3A_71 : i32
      %convert_element_type3A_73 = arith.extui %lt3A_72 : i1 to i32
      %cond3A_74 = arith.constant 0 : i32
      %cond3A_75 = arith.cmpi ne, %convert_element_type3A_73, %cond3A_74 : i32
      scf.if %cond3A_75 {
        %add3A_226 = arith.constant 3 : i32
        %add3A_227 = arith.addi %add3A_63, %add3A_226 : i32
        %dma_start3A_228 = arith.constant 0 : i32
        %dma_start3A_229 = tpu.memref_slice %arg5[%add3A_227, %dma_start3A_228] : memref<50x128xi32, #tpu.memory_space<vmem>> -> memref<1x128xi32, #tpu.memory_space<vmem>>
        %dma_start3A_230 = tpu.memref_squeeze %dma_start3A_229 : memref<1x128xi32, #tpu.memory_space<vmem>> -> memref<128xi32, #tpu.memory_space<vmem>>
        %dma_start3A_231 = arith.constant 0 : i32
        %dma_start3A_232 = arith.constant 0 : i32
        %dma_start3A_233 = tpu.memref_slice %arg3[%dma_start3A_231, %dma_start3A_232] : memref<100000x128xf32, #tpu.memory_space<hbm>> -> memref<100000x128xf32, #tpu.memory_space<hbm>>
        tpu.enqueue_indirect_dma source(%dma_start3A_233 : memref<100000x128xf32, #tpu.memory_space<hbm>>) target(%arg9 : memref<128x128xf32, #tpu.memory_space<vmem>>) offsets(%dma_start3A_230 : memref<128xi32, #tpu.memory_space<vmem>>) semaphore(%arg14 : memref<!tpu.dma_semaphore, #tpu.memory_space<semaphore_mem>>)
      } else {
      }
      %dma_wait3A_76 = arith.constant 0 : i32
      %dma_wait3A_77 = tpu.memref_slice %arg5[%add3A_63, %dma_wait3A_76] : memref<50x128xi32, #tpu.memory_space<vmem>> -> memref<1x128xi32, #tpu.memory_space<vmem>>
      %dma_wait3A_78 = tpu.memref_squeeze %dma_wait3A_77 : memref<1x128xi32, #tpu.memory_space<vmem>> -> memref<128xi32, #tpu.memory_space<vmem>>
      %dma_wait3A_79 = arith.constant 0 : i32
      %dma_wait3A_80 = arith.constant 0 : i32
      %dma_wait3A_81 = tpu.memref_slice %arg3[%dma_wait3A_79, %dma_wait3A_80] : memref<100000x128xf32, #tpu.memory_space<hbm>> -> memref<100000x128xf32, #tpu.memory_space<hbm>>
      tpu.wait_indirect_dma semaphore(%arg11 : memref<!tpu.dma_semaphore, #tpu.memory_space<semaphore_mem>>) src(%dma_wait3A_81 : memref<100000x128xf32, #tpu.memory_space<hbm>>) dst(%arg6 : memref<128x128xf32, #tpu.memory_space<vmem>>)
      %mul3A_82 = arith.constant 4096 : i32
      %mul3A_83 = arith.muli %add3A_63, %mul3A_82 : i32
      %add3A_84 = arith.addi %mul3A_83, %mul3A_2 : i32
      %dma_start3A_85 = arith.constant 0 : i32
      %dma_start3A_86 = tpu.memref_slice %arg4[%add3A_84, %dma_start3A_85] : memref<204800x128xf32, #tpu.memory_space<hbm>> -> memref<128x128xf32, #tpu.memory_space<hbm>>
      %dma_start3A_87 = arith.constant 0 : i32
      %dma_start3A_88 = tpu.memref_slice %arg4[%add3A_84, %dma_start3A_87] : memref<204800x128xf32, #tpu.memory_space<hbm>> -> memref<128x128xf32, #tpu.memory_space<hbm>>
      tpu.enqueue_dma source(%arg6 : memref<128x128xf32, #tpu.memory_space<vmem>>) target(%dma_start3A_88 : memref<128x128xf32, #tpu.memory_space<hbm>>) target_semaphore(%arg16 : memref<!tpu.dma_semaphore, #tpu.memory_space<semaphore_mem>>)
      %mul3A_89 = arith.constant 5 : i32
      %mul3A_90 = arith.muli %scan3A_58, %mul3A_89 : i32
      %add3A_91 = arith.constant 1 : i32
      %add3A_92 = arith.addi %mul3A_90, %add3A_91 : i32
      %add3A_93 = arith.constant 3 : i32
      %add3A_94 = arith.addi %add3A_92, %add3A_93 : i32
      %lt3A_95 = arith.constant 50 : i32
      %lt3A_96 = arith.cmpi slt, %add3A_94, %lt3A_95 : i32
      %ge3A_97 = arith.constant 2 : i32
      %ge3A_98 = arith.cmpi sge, %add3A_92, %ge3A_97 : i32
      %and3A_99 = arith.andi %lt3A_96, %ge3A_98 : i1
      %convert_element_type3A_100 = arith.extui %and3A_99 : i1 to i32
      %cond3A_101 = arith.constant 0 : i32
      %cond3A_102 = arith.cmpi ne, %convert_element_type3A_100, %cond3A_101 : i32
      scf.if %cond3A_102 {
        %add3A_226 = arith.constant 3 : i32
        %add3A_227 = arith.addi %add3A_92, %add3A_226 : i32
        %sub3A = arith.constant 5 : i32
        %sub3A_228 = arith.subi %add3A_227, %sub3A : i32
        %mul3A_229 = arith.constant 4096 : i32
        %mul3A_230 = arith.muli %sub3A_228, %mul3A_229 : i32
        %add3A_231 = arith.addi %mul3A_230, %mul3A_2 : i32
        %dma_wait3A_232 = arith.constant 0 : i32
        %dma_wait3A_233 = tpu.memref_slice %arg4[%add3A_231, %dma_wait3A_232] : memref<204800x128xf32, #tpu.memory_space<hbm>> -> memref<128x128xf32, #tpu.memory_space<hbm>>
        %dma_wait3A_234 = arith.constant 0 : i32
        %dma_wait3A_235 = tpu.memref_slice %arg4[%add3A_231, %dma_wait3A_234] : memref<204800x128xf32, #tpu.memory_space<hbm>> -> memref<128x128xf32, #tpu.memory_space<hbm>>
        tpu.wait_dma2 semaphore(%arg20 : memref<!tpu.dma_semaphore, #tpu.memory_space<semaphore_mem>>) src(%arg10 : memref<128x128xf32, #tpu.memory_space<vmem>>) dst(%dma_wait3A_235 : memref<128x128xf32, #tpu.memory_space<hbm>>)
      } else {
      }
      %add3A_103 = arith.constant 3 : i32
      %add3A_104 = arith.addi %add3A_92, %add3A_103 : i32
      %lt3A_105 = arith.constant 50 : i32
      %lt3A_106 = arith.cmpi slt, %add3A_104, %lt3A_105 : i32
      %convert_element_type3A_107 = arith.extui %lt3A_106 : i1 to i32
      %cond3A_108 = arith.constant 0 : i32
      %cond3A_109 = arith.cmpi ne, %convert_element_type3A_107, %cond3A_108 : i32
      scf.if %cond3A_109 {
        %add3A_226 = arith.constant 3 : i32
        %add3A_227 = arith.addi %add3A_92, %add3A_226 : i32
        %dma_start3A_228 = arith.constant 0 : i32
        %dma_start3A_229 = tpu.memref_slice %arg5[%add3A_227, %dma_start3A_228] : memref<50x128xi32, #tpu.memory_space<vmem>> -> memref<1x128xi32, #tpu.memory_space<vmem>>
        %dma_start3A_230 = tpu.memref_squeeze %dma_start3A_229 : memref<1x128xi32, #tpu.memory_space<vmem>> -> memref<128xi32, #tpu.memory_space<vmem>>
        %dma_start3A_231 = arith.constant 0 : i32
        %dma_start3A_232 = arith.constant 0 : i32
        %dma_start3A_233 = tpu.memref_slice %arg3[%dma_start3A_231, %dma_start3A_232] : memref<100000x128xf32, #tpu.memory_space<hbm>> -> memref<100000x128xf32, #tpu.memory_space<hbm>>
        tpu.enqueue_indirect_dma source(%dma_start3A_233 : memref<100000x128xf32, #tpu.memory_space<hbm>>) target(%arg10 : memref<128x128xf32, #tpu.memory_space<vmem>>) offsets(%dma_start3A_230 : memref<128xi32, #tpu.memory_space<vmem>>) semaphore(%arg15 : memref<!tpu.dma_semaphore, #tpu.memory_space<semaphore_mem>>)
      } else {
      }
      %dma_wait3A_110 = arith.constant 0 : i32
      %dma_wait3A_111 = tpu.memref_slice %arg5[%add3A_92, %dma_wait3A_110] : memref<50x128xi32, #tpu.memory_space<vmem>> -> memref<1x128xi32, #tpu.memory_space<vmem>>
      %dma_wait3A_112 = tpu.memref_squeeze %dma_wait3A_111 : memref<1x128xi32, #tpu.memory_space<vmem>> -> memref<128xi32, #tpu.memory_space<vmem>>
      %dma_wait3A_113 = arith.constant 0 : i32
      %dma_wait3A_114 = arith.constant 0 : i32
      %dma_wait3A_115 = tpu.memref_slice %arg3[%dma_wait3A_113, %dma_wait3A_114] : memref<100000x128xf32, #tpu.memory_space<hbm>> -> memref<100000x128xf32, #tpu.memory_space<hbm>>
      tpu.wait_indirect_dma semaphore(%arg12 : memref<!tpu.dma_semaphore, #tpu.memory_space<semaphore_mem>>) src(%dma_wait3A_115 : memref<100000x128xf32, #tpu.memory_space<hbm>>) dst(%arg7 : memref<128x128xf32, #tpu.memory_space<vmem>>)
      %mul3A_116 = arith.constant 4096 : i32
      %mul3A_117 = arith.muli %add3A_92, %mul3A_116 : i32
      %add3A_118 = arith.addi %mul3A_117, %mul3A_2 : i32
      %dma_start3A_119 = arith.constant 0 : i32
      %dma_start3A_120 = tpu.memref_slice %arg4[%add3A_118, %dma_start3A_119] : memref<204800x128xf32, #tpu.memory_space<hbm>> -> memref<128x128xf32, #tpu.memory_space<hbm>>
      %dma_start3A_121 = arith.constant 0 : i32
      %dma_start3A_122 = tpu.memref_slice %arg4[%add3A_118, %dma_start3A_121] : memref<204800x128xf32, #tpu.memory_space<hbm>> -> memref<128x128xf32, #tpu.memory_space<hbm>>
      tpu.enqueue_dma source(%arg7 : memref<128x128xf32, #tpu.memory_space<vmem>>) target(%dma_start3A_122 : memref<128x128xf32, #tpu.memory_space<hbm>>) target_semaphore(%arg17 : memref<!tpu.dma_semaphore, #tpu.memory_space<semaphore_mem>>)
      %mul3A_123 = arith.constant 5 : i32
      %mul3A_124 = arith.muli %scan3A_58, %mul3A_123 : i32
      %add3A_125 = arith.constant 2 : i32
      %add3A_126 = arith.addi %mul3A_124, %add3A_125 : i32
      %add3A_127 = arith.constant 3 : i32
      %add3A_128 = arith.addi %add3A_126, %add3A_127 : i32
      %lt3A_129 = arith.constant 50 : i32
      %lt3A_130 = arith.cmpi slt, %add3A_128, %lt3A_129 : i32
      %ge3A_131 = arith.constant 2 : i32
      %ge3A_132 = arith.cmpi sge, %add3A_126, %ge3A_131 : i32
      %and3A_133 = arith.andi %lt3A_130, %ge3A_132 : i1
      %convert_element_type3A_134 = arith.extui %and3A_133 : i1 to i32
      %cond3A_135 = arith.constant 0 : i32
      %cond3A_136 = arith.cmpi ne, %convert_element_type3A_134, %cond3A_135 : i32
      scf.if %cond3A_136 {
        %add3A_226 = arith.constant 3 : i32
        %add3A_227 = arith.addi %add3A_126, %add3A_226 : i32
        %sub3A = arith.constant 5 : i32
        %sub3A_228 = arith.subi %add3A_227, %sub3A : i32
        %mul3A_229 = arith.constant 4096 : i32
        %mul3A_230 = arith.muli %sub3A_228, %mul3A_229 : i32
        %add3A_231 = arith.addi %mul3A_230, %mul3A_2 : i32
        %dma_wait3A_232 = arith.constant 0 : i32
        %dma_wait3A_233 = tpu.memref_slice %arg4[%add3A_231, %dma_wait3A_232] : memref<204800x128xf32, #tpu.memory_space<hbm>> -> memref<128x128xf32, #tpu.memory_space<hbm>>
        %dma_wait3A_234 = arith.constant 0 : i32
        %dma_wait3A_235 = tpu.memref_slice %arg4[%add3A_231, %dma_wait3A_234] : memref<204800x128xf32, #tpu.memory_space<hbm>> -> memref<128x128xf32, #tpu.memory_space<hbm>>
        tpu.wait_dma2 semaphore(%arg16 : memref<!tpu.dma_semaphore, #tpu.memory_space<semaphore_mem>>) src(%arg6 : memref<128x128xf32, #tpu.memory_space<vmem>>) dst(%dma_wait3A_235 : memref<128x128xf32, #tpu.memory_space<hbm>>)
      } else {
      }
      %add3A_137 = arith.constant 3 : i32
      %add3A_138 = arith.addi %add3A_126, %add3A_137 : i32
      %lt3A_139 = arith.constant 50 : i32
      %lt3A_140 = arith.cmpi slt, %add3A_138, %lt3A_139 : i32
      %convert_element_type3A_141 = arith.extui %lt3A_140 : i1 to i32
      %cond3A_142 = arith.constant 0 : i32
      %cond3A_143 = arith.cmpi ne, %convert_element_type3A_141, %cond3A_142 : i32
      scf.if %cond3A_143 {
        %add3A_226 = arith.constant 3 : i32
        %add3A_227 = arith.addi %add3A_126, %add3A_226 : i32
        %dma_start3A_228 = arith.constant 0 : i32
        %dma_start3A_229 = tpu.memref_slice %arg5[%add3A_227, %dma_start3A_228] : memref<50x128xi32, #tpu.memory_space<vmem>> -> memref<1x128xi32, #tpu.memory_space<vmem>>
        %dma_start3A_230 = tpu.memref_squeeze %dma_start3A_229 : memref<1x128xi32, #tpu.memory_space<vmem>> -> memref<128xi32, #tpu.memory_space<vmem>>
        %dma_start3A_231 = arith.constant 0 : i32
        %dma_start3A_232 = arith.constant 0 : i32
        %dma_start3A_233 = tpu.memref_slice %arg3[%dma_start3A_231, %dma_start3A_232] : memref<100000x128xf32, #tpu.memory_space<hbm>> -> memref<100000x128xf32, #tpu.memory_space<hbm>>
        tpu.enqueue_indirect_dma source(%dma_start3A_233 : memref<100000x128xf32, #tpu.memory_space<hbm>>) target(%arg6 : memref<128x128xf32, #tpu.memory_space<vmem>>) offsets(%dma_start3A_230 : memref<128xi32, #tpu.memory_space<vmem>>) semaphore(%arg11 : memref<!tpu.dma_semaphore, #tpu.memory_space<semaphore_mem>>)
      } else {
      }
      %dma_wait3A_144 = arith.constant 0 : i32
      %dma_wait3A_145 = tpu.memref_slice %arg5[%add3A_126, %dma_wait3A_144] : memref<50x128xi32, #tpu.memory_space<vmem>> -> memref<1x128xi32, #tpu.memory_space<vmem>>
      %dma_wait3A_146 = tpu.memref_squeeze %dma_wait3A_145 : memref<1x128xi32, #tpu.memory_space<vmem>> -> memref<128xi32, #tpu.memory_space<vmem>>
      %dma_wait3A_147 = arith.constant 0 : i32
      %dma_wait3A_148 = arith.constant 0 : i32
      %dma_wait3A_149 = tpu.memref_slice %arg3[%dma_wait3A_147, %dma_wait3A_148] : memref<100000x128xf32, #tpu.memory_space<hbm>> -> memref<100000x128xf32, #tpu.memory_space<hbm>>
      tpu.wait_indirect_dma semaphore(%arg13 : memref<!tpu.dma_semaphore, #tpu.memory_space<semaphore_mem>>) src(%dma_wait3A_149 : memref<100000x128xf32, #tpu.memory_space<hbm>>) dst(%arg8 : memref<128x128xf32, #tpu.memory_space<vmem>>)
      %mul3A_150 = arith.constant 4096 : i32
      %mul3A_151 = arith.muli %add3A_126, %mul3A_150 : i32
      %add3A_152 = arith.addi %mul3A_151, %mul3A_2 : i32
      %dma_start3A_153 = arith.constant 0 : i32
      %dma_start3A_154 = tpu.memref_slice %arg4[%add3A_152, %dma_start3A_153] : memref<204800x128xf32, #tpu.memory_space<hbm>> -> memref<128x128xf32, #tpu.memory_space<hbm>>
      %dma_start3A_155 = arith.constant 0 : i32
      %dma_start3A_156 = tpu.memref_slice %arg4[%add3A_152, %dma_start3A_155] : memref<204800x128xf32, #tpu.memory_space<hbm>> -> memref<128x128xf32, #tpu.memory_space<hbm>>
      tpu.enqueue_dma source(%arg8 : memref<128x128xf32, #tpu.memory_space<vmem>>) target(%dma_start3A_156 : memref<128x128xf32, #tpu.memory_space<hbm>>) target_semaphore(%arg18 : memref<!tpu.dma_semaphore, #tpu.memory_space<semaphore_mem>>)
      %mul3A_157 = arith.constant 5 : i32
      %mul3A_158 = arith.muli %scan3A_58, %mul3A_157 : i32
      %add3A_159 = arith.constant 3 : i32
      %add3A_160 = arith.addi %mul3A_158, %add3A_159 : i32
      %add3A_161 = arith.constant 3 : i32
      %add3A_162 = arith.addi %add3A_160, %add3A_161 : i32
      %lt3A_163 = arith.constant 50 : i32
      %lt3A_164 = arith.cmpi slt, %add3A_162, %lt3A_163 : i32
      %ge3A_165 = arith.constant 2 : i32
      %ge3A_166 = arith.cmpi sge, %add3A_160, %ge3A_165 : i32
      %and3A_167 = arith.andi %lt3A_164, %ge3A_166 : i1
      %convert_element_type3A_168 = arith.extui %and3A_167 : i1 to i32
      %cond3A_169 = arith.constant 0 : i32
      %cond3A_170 = arith.cmpi ne, %convert_element_type3A_168, %cond3A_169 : i32
      scf.if %cond3A_170 {
        %add3A_226 = arith.constant 3 : i32
        %add3A_227 = arith.addi %add3A_160, %add3A_226 : i32
        %sub3A = arith.constant 5 : i32
        %sub3A_228 = arith.subi %add3A_227, %sub3A : i32
        %mul3A_229 = arith.constant 4096 : i32
        %mul3A_230 = arith.muli %sub3A_228, %mul3A_229 : i32
        %add3A_231 = arith.addi %mul3A_230, %mul3A_2 : i32
        %dma_wait3A_232 = arith.constant 0 : i32
        %dma_wait3A_233 = tpu.memref_slice %arg4[%add3A_231, %dma_wait3A_232] : memref<204800x128xf32, #tpu.memory_space<hbm>> -> memref<128x128xf32, #tpu.memory_space<hbm>>
        %dma_wait3A_234 = arith.constant 0 : i32
        %dma_wait3A_235 = tpu.memref_slice %arg4[%add3A_231, %dma_wait3A_234] : memref<204800x128xf32, #tpu.memory_space<hbm>> -> memref<128x128xf32, #tpu.memory_space<hbm>>
        tpu.wait_dma2 semaphore(%arg17 : memref<!tpu.dma_semaphore, #tpu.memory_space<semaphore_mem>>) src(%arg7 : memref<128x128xf32, #tpu.memory_space<vmem>>) dst(%dma_wait3A_235 : memref<128x128xf32, #tpu.memory_space<hbm>>)
      } else {
      }
      %add3A_171 = arith.constant 3 : i32
      %add3A_172 = arith.addi %add3A_160, %add3A_171 : i32
      %lt3A_173 = arith.constant 50 : i32
      %lt3A_174 = arith.cmpi slt, %add3A_172, %lt3A_173 : i32
      %convert_element_type3A_175 = arith.extui %lt3A_174 : i1 to i32
      %cond3A_176 = arith.constant 0 : i32
      %cond3A_177 = arith.cmpi ne, %convert_element_type3A_175, %cond3A_176 : i32
      scf.if %cond3A_177 {
        %add3A_226 = arith.constant 3 : i32
        %add3A_227 = arith.addi %add3A_160, %add3A_226 : i32
        %dma_start3A_228 = arith.constant 0 : i32
        %dma_start3A_229 = tpu.memref_slice %arg5[%add3A_227, %dma_start3A_228] : memref<50x128xi32, #tpu.memory_space<vmem>> -> memref<1x128xi32, #tpu.memory_space<vmem>>
        %dma_start3A_230 = tpu.memref_squeeze %dma_start3A_229 : memref<1x128xi32, #tpu.memory_space<vmem>> -> memref<128xi32, #tpu.memory_space<vmem>>
        %dma_start3A_231 = arith.constant 0 : i32
        %dma_start3A_232 = arith.constant 0 : i32
        %dma_start3A_233 = tpu.memref_slice %arg3[%dma_start3A_231, %dma_start3A_232] : memref<100000x128xf32, #tpu.memory_space<hbm>> -> memref<100000x128xf32, #tpu.memory_space<hbm>>
        tpu.enqueue_indirect_dma source(%dma_start3A_233 : memref<100000x128xf32, #tpu.memory_space<hbm>>) target(%arg7 : memref<128x128xf32, #tpu.memory_space<vmem>>) offsets(%dma_start3A_230 : memref<128xi32, #tpu.memory_space<vmem>>) semaphore(%arg12 : memref<!tpu.dma_semaphore, #tpu.memory_space<semaphore_mem>>)
      } else {
      }
      %dma_wait3A_178 = arith.constant 0 : i32
      %dma_wait3A_179 = tpu.memref_slice %arg5[%add3A_160, %dma_wait3A_178] : memref<50x128xi32, #tpu.memory_space<vmem>> -> memref<1x128xi32, #tpu.memory_space<vmem>>
      %dma_wait3A_180 = tpu.memref_squeeze %dma_wait3A_179 : memref<1x128xi32, #tpu.memory_space<vmem>> -> memref<128xi32, #tpu.memory_space<vmem>>
      %dma_wait3A_181 = arith.constant 0 : i32
      %dma_wait3A_182 = arith.constant 0 : i32
      %dma_wait3A_183 = tpu.memref_slice %arg3[%dma_wait3A_181, %dma_wait3A_182] : memref<100000x128xf32, #tpu.memory_space<hbm>> -> memref<100000x128xf32, #tpu.memory_space<hbm>>
      tpu.wait_indirect_dma semaphore(%arg14 : memref<!tpu.dma_semaphore, #tpu.memory_space<semaphore_mem>>) src(%dma_wait3A_183 : memref<100000x128xf32, #tpu.memory_space<hbm>>) dst(%arg9 : memref<128x128xf32, #tpu.memory_space<vmem>>)
      %mul3A_184 = arith.constant 4096 : i32
      %mul3A_185 = arith.muli %add3A_160, %mul3A_184 : i32
      %add3A_186 = arith.addi %mul3A_185, %mul3A_2 : i32
      %dma_start3A_187 = arith.constant 0 : i32
      %dma_start3A_188 = tpu.memref_slice %arg4[%add3A_186, %dma_start3A_187] : memref<204800x128xf32, #tpu.memory_space<hbm>> -> memref<128x128xf32, #tpu.memory_space<hbm>>
      %dma_start3A_189 = arith.constant 0 : i32
      %dma_start3A_190 = tpu.memref_slice %arg4[%add3A_186, %dma_start3A_189] : memref<204800x128xf32, #tpu.memory_space<hbm>> -> memref<128x128xf32, #tpu.memory_space<hbm>>
      tpu.enqueue_dma source(%arg9 : memref<128x128xf32, #tpu.memory_space<vmem>>) target(%dma_start3A_190 : memref<128x128xf32, #tpu.memory_space<hbm>>) target_semaphore(%arg19 : memref<!tpu.dma_semaphore, #tpu.memory_space<semaphore_mem>>)
      %mul3A_191 = arith.constant 5 : i32
      %mul3A_192 = arith.muli %scan3A_58, %mul3A_191 : i32
      %add3A_193 = arith.constant 4 : i32
      %add3A_194 = arith.addi %mul3A_192, %add3A_193 : i32
      %add3A_195 = arith.constant 3 : i32
      %add3A_196 = arith.addi %add3A_194, %add3A_195 : i32
      %lt3A_197 = arith.constant 50 : i32
      %lt3A_198 = arith.cmpi slt, %add3A_196, %lt3A_197 : i32
      %ge3A_199 = arith.constant 2 : i32
      %ge3A_200 = arith.cmpi sge, %add3A_194, %ge3A_199 : i32
      %and3A_201 = arith.andi %lt3A_198, %ge3A_200 : i1
      %convert_element_type3A_202 = arith.extui %and3A_201 : i1 to i32
      %cond3A_203 = arith.constant 0 : i32
      %cond3A_204 = arith.cmpi ne, %convert_element_type3A_202, %cond3A_203 : i32
      scf.if %cond3A_204 {
        %add3A_226 = arith.constant 3 : i32
        %add3A_227 = arith.addi %add3A_194, %add3A_226 : i32
        %sub3A = arith.constant 5 : i32
        %sub3A_228 = arith.subi %add3A_227, %sub3A : i32
        %mul3A_229 = arith.constant 4096 : i32
        %mul3A_230 = arith.muli %sub3A_228, %mul3A_229 : i32
        %add3A_231 = arith.addi %mul3A_230, %mul3A_2 : i32
        %dma_wait3A_232 = arith.constant 0 : i32
        %dma_wait3A_233 = tpu.memref_slice %arg4[%add3A_231, %dma_wait3A_232] : memref<204800x128xf32, #tpu.memory_space<hbm>> -> memref<128x128xf32, #tpu.memory_space<hbm>>
        %dma_wait3A_234 = arith.constant 0 : i32
        %dma_wait3A_235 = tpu.memref_slice %arg4[%add3A_231, %dma_wait3A_234] : memref<204800x128xf32, #tpu.memory_space<hbm>> -> memref<128x128xf32, #tpu.memory_space<hbm>>
        tpu.wait_dma2 semaphore(%arg18 : memref<!tpu.dma_semaphore, #tpu.memory_space<semaphore_mem>>) src(%arg8 : memref<128x128xf32, #tpu.memory_space<vmem>>) dst(%dma_wait3A_235 : memref<128x128xf32, #tpu.memory_space<hbm>>)
      } else {
      }
      %add3A_205 = arith.constant 3 : i32
      %add3A_206 = arith.addi %add3A_194, %add3A_205 : i32
      %lt3A_207 = arith.constant 50 : i32
      %lt3A_208 = arith.cmpi slt, %add3A_206, %lt3A_207 : i32
      %convert_element_type3A_209 = arith.extui %lt3A_208 : i1 to i32
      %cond3A_210 = arith.constant 0 : i32
      %cond3A_211 = arith.cmpi ne, %convert_element_type3A_209, %cond3A_210 : i32
      scf.if %cond3A_211 {
        %add3A_226 = arith.constant 3 : i32
        %add3A_227 = arith.addi %add3A_194, %add3A_226 : i32
        %dma_start3A_228 = arith.constant 0 : i32
        %dma_start3A_229 = tpu.memref_slice %arg5[%add3A_227, %dma_start3A_228] : memref<50x128xi32, #tpu.memory_space<vmem>> -> memref<1x128xi32, #tpu.memory_space<vmem>>
        %dma_start3A_230 = tpu.memref_squeeze %dma_start3A_229 : memref<1x128xi32, #tpu.memory_space<vmem>> -> memref<128xi32, #tpu.memory_space<vmem>>
        %dma_start3A_231 = arith.constant 0 : i32
        %dma_start3A_232 = arith.constant 0 : i32
        %dma_start3A_233 = tpu.memref_slice %arg3[%dma_start3A_231, %dma_start3A_232] : memref<100000x128xf32, #tpu.memory_space<hbm>> -> memref<100000x128xf32, #tpu.memory_space<hbm>>
        tpu.enqueue_indirect_dma source(%dma_start3A_233 : memref<100000x128xf32, #tpu.memory_space<hbm>>) target(%arg8 : memref<128x128xf32, #tpu.memory_space<vmem>>) offsets(%dma_start3A_230 : memref<128xi32, #tpu.memory_space<vmem>>) semaphore(%arg13 : memref<!tpu.dma_semaphore, #tpu.memory_space<semaphore_mem>>)
      } else {
      }
      %dma_wait3A_212 = arith.constant 0 : i32
      %dma_wait3A_213 = tpu.memref_slice %arg5[%add3A_194, %dma_wait3A_212] : memref<50x128xi32, #tpu.memory_space<vmem>> -> memref<1x128xi32, #tpu.memory_space<vmem>>
      %dma_wait3A_214 = tpu.memref_squeeze %dma_wait3A_213 : memref<1x128xi32, #tpu.memory_space<vmem>> -> memref<128xi32, #tpu.memory_space<vmem>>
      %dma_wait3A_215 = arith.constant 0 : i32
      %dma_wait3A_216 = arith.constant 0 : i32
      %dma_wait3A_217 = tpu.memref_slice %arg3[%dma_wait3A_215, %dma_wait3A_216] : memref<100000x128xf32, #tpu.memory_space<hbm>> -> memref<100000x128xf32, #tpu.memory_space<hbm>>
      tpu.wait_indirect_dma semaphore(%arg15 : memref<!tpu.dma_semaphore, #tpu.memory_space<semaphore_mem>>) src(%dma_wait3A_217 : memref<100000x128xf32, #tpu.memory_space<hbm>>) dst(%arg10 : memref<128x128xf32, #tpu.memory_space<vmem>>)
      %mul3A_218 = arith.constant 4096 : i32
      %mul3A_219 = arith.muli %add3A_194, %mul3A_218 : i32
      %add3A_220 = arith.addi %mul3A_219, %mul3A_2 : i32
      %dma_start3A_221 = arith.constant 0 : i32
      %dma_start3A_222 = tpu.memref_slice %arg4[%add3A_220, %dma_start3A_221] : memref<204800x128xf32, #tpu.memory_space<hbm>> -> memref<128x128xf32, #tpu.memory_space<hbm>>
      %dma_start3A_223 = arith.constant 0 : i32
      %dma_start3A_224 = tpu.memref_slice %arg4[%add3A_220, %dma_start3A_223] : memref<204800x128xf32, #tpu.memory_space<hbm>> -> memref<128x128xf32, #tpu.memory_space<hbm>>
      tpu.enqueue_dma source(%arg10 : memref<128x128xf32, #tpu.memory_space<vmem>>) target(%dma_start3A_224 : memref<128x128xf32, #tpu.memory_space<hbm>>) target_semaphore(%arg20 : memref<!tpu.dma_semaphore, #tpu.memory_space<semaphore_mem>>)
      %scan3A_225 = arith.constant 0 : i32
      scf.yield %scan3A_225 : i32
    }
    %scan3A_28 = arith.constant 10 : i32
    %add3A_29 = arith.constant 184320 : i32
    %add3A_30 = arith.addi %add3A_29, %mul3A_2 : i32
    %dma_wait3A = arith.constant 0 : i32
    %dma_wait3A_31 = tpu.memref_slice %arg4[%add3A_30, %dma_wait3A] : memref<204800x128xf32, #tpu.memory_space<hbm>> -> memref<128x128xf32, #tpu.memory_space<hbm>>
    %dma_wait3A_32 = arith.constant 0 : i32
    %dma_wait3A_33 = tpu.memref_slice %arg4[%add3A_30, %dma_wait3A_32] : memref<204800x128xf32, #tpu.memory_space<hbm>> -> memref<128x128xf32, #tpu.memory_space<hbm>>
    tpu.wait_dma2 semaphore(%arg16 : memref<!tpu.dma_semaphore, #tpu.memory_space<semaphore_mem>>) src(%arg6 : memref<128x128xf32, #tpu.memory_space<vmem>>) dst(%dma_wait3A_33 : memref<128x128xf32, #tpu.memory_space<hbm>>)
    %add3A_34 = arith.constant 188416 : i32
    %add3A_35 = arith.addi %add3A_34, %mul3A_2 : i32
    %dma_wait3A_36 = arith.constant 0 : i32
    %dma_wait3A_37 = tpu.memref_slice %arg4[%add3A_35, %dma_wait3A_36] : memref<204800x128xf32, #tpu.memory_space<hbm>> -> memref<128x128xf32, #tpu.memory_space<hbm>>
    %dma_wait3A_38 = arith.constant 0 : i32
    %dma_wait3A_39 = tpu.memref_slice %arg4[%add3A_35, %dma_wait3A_38] : memref<204800x128xf32, #tpu.memory_space<hbm>> -> memref<128x128xf32, #tpu.memory_space<hbm>>
    tpu.wait_dma2 semaphore(%arg17 : memref<!tpu.dma_semaphore, #tpu.memory_space<semaphore_mem>>) src(%arg7 : memref<128x128xf32, #tpu.memory_space<vmem>>) dst(%dma_wait3A_39 : memref<128x128xf32, #tpu.memory_space<hbm>>)
    %add3A_40 = arith.constant 192512 : i32
    %add3A_41 = arith.addi %add3A_40, %mul3A_2 : i32
    %dma_wait3A_42 = arith.constant 0 : i32
    %dma_wait3A_43 = tpu.memref_slice %arg4[%add3A_41, %dma_wait3A_42] : memref<204800x128xf32, #tpu.memory_space<hbm>> -> memref<128x128xf32, #tpu.memory_space<hbm>>
    %dma_wait3A_44 = arith.constant 0 : i32
    %dma_wait3A_45 = tpu.memref_slice %arg4[%add3A_41, %dma_wait3A_44] : memref<204800x128xf32, #tpu.memory_space<hbm>> -> memref<128x128xf32, #tpu.memory_space<hbm>>
    tpu.wait_dma2 semaphore(%arg18 : memref<!tpu.dma_semaphore, #tpu.memory_space<semaphore_mem>>) src(%arg8 : memref<128x128xf32, #tpu.memory_space<vmem>>) dst(%dma_wait3A_45 : memref<128x128xf32, #tpu.memory_space<hbm>>)
    %add3A_46 = arith.constant 196608 : i32
    %add3A_47 = arith.addi %add3A_46, %mul3A_2 : i32
    %dma_wait3A_48 = arith.constant 0 : i32
    %dma_wait3A_49 = tpu.memref_slice %arg4[%add3A_47, %dma_wait3A_48] : memref<204800x128xf32, #tpu.memory_space<hbm>> -> memref<128x128xf32, #tpu.memory_space<hbm>>
    %dma_wait3A_50 = arith.constant 0 : i32
    %dma_wait3A_51 = tpu.memref_slice %arg4[%add3A_47, %dma_wait3A_50] : memref<204800x128xf32, #tpu.memory_space<hbm>> -> memref<128x128xf32, #tpu.memory_space<hbm>>
    tpu.wait_dma2 semaphore(%arg19 : memref<!tpu.dma_semaphore, #tpu.memory_space<semaphore_mem>>) src(%arg9 : memref<128x128xf32, #tpu.memory_space<vmem>>) dst(%dma_wait3A_51 : memref<128x128xf32, #tpu.memory_space<hbm>>)
    %add3A_52 = arith.constant 200704 : i32
    %add3A_53 = arith.addi %add3A_52, %mul3A_2 : i32
    %dma_wait3A_54 = arith.constant 0 : i32
    %dma_wait3A_55 = tpu.memref_slice %arg4[%add3A_53, %dma_wait3A_54] : memref<204800x128xf32, #tpu.memory_space<hbm>> -> memref<128x128xf32, #tpu.memory_space<hbm>>
    %dma_wait3A_56 = arith.constant 0 : i32
    %dma_wait3A_57 = tpu.memref_slice %arg4[%add3A_53, %dma_wait3A_56] : memref<204800x128xf32, #tpu.memory_space<hbm>> -> memref<128x128xf32, #tpu.memory_space<hbm>>
    tpu.wait_dma2 semaphore(%arg20 : memref<!tpu.dma_semaphore, #tpu.memory_space<semaphore_mem>>) src(%arg10 : memref<128x128xf32, #tpu.memory_space<vmem>>) dst(%dma_wait3A_57 : memref<128x128xf32, #tpu.memory_space<hbm>>)
    return
  }
}

</mosaic_0001>

<sc_bundles>
// kernel: _embed.3.cloned.1.call-start
scs
__scs_entry_jumppad:
0x0: {  	(pc) =	sbr.rel $0x88, $3  }
0x1: {  	(tag) =	ssettag $0x0;
	lr =	simm.s32 $0x1  }
0x2: {  	[smem:$0x3F9F] =	sst lr;
	_ =	strace $0xD0000000  }
0x3: {  	_ = 	snop  }
0x4: {  	_ = 	snop  }
0x5: {  	_ = 	snop  }
0x6: {  	_ = 	snop  }
0x7: {  	_ = 	snop  }
__scs_overlays_trampoline_lowered:
0x8: {  	[smem:$0x3FAE] =	sst s0  }
0x9: {  	[smem:$0x3FAF] =	sst s1  }
0xa: {  	[smem:$0x3FB0] =	sst s2  }
0xb: {  	[smem:$0x3FB1] =	sst s3  }
0xc: {  	[smem:$0x3FB2] =	sst s4  }
0xd: {  	[smem:$0x3FB3] =	sst s5  }
0xe: {  	[smem:$0x3FB4] =	sst s6  }
0xf: {  	[smem:$0x3FB5] =	sst s7  }
0x10: {  	[smem:$0x3FB6] =	sst s8  }
0x11: {  	[smem:$0x3FB7] =	sst s9;
	s0 =	simm.s32 @!p0 $0x0  }
0x12: {  	s1 =	sld [smem:$0x3F9D];
	s0 =	simm.s32 @p0 $0x1  }
0x13: {  	[smem:$0x3FB8] =	sst s0;
	s0 =	simm.s32 @!p1 $0x0  }
0x14: {  	s2 =	sld [smem:$0x3F9C];
	s0 =	simm.s32 @p1 $0x1  }
0x15: {  	[smem:$0x3FB9] =	sst s0;
	s0 =	simm.s32 @!p2 $0x0  }
0x16: {  	s3 =	sld [smem:$0x3FDB];
	s0 =	simm.s32 @p2 $0x1  }
0x17: {  	s4 =	simm.s32 $0x1BF5;
	[smem:$0x3FBB] =	sst s0  }
0x18: {  	s0 =	sld [smem:$0x3F9E];
	_ =	swait.ge [sflag:s4], $0x0  }
0x19: {  	s7 =	sld [smem:$0x3F9F]  }
0x1a: {  	s8 =	sadd.s32 $0xFFFFE003, lr  }
0x1b: {  	s9 =	sadd.s32 $0xFFFFFEF7, lr;
	s5 =	simm.s32 $0xFFFFFFFF;
	p2 =	slt.u32 s8, $0xFFFFF086  }
0x1c: {  	p1 =	slt.u32 s9, $0xF7A;
	s5 =	simm.s32 @!p2 $0x0  }
0x1d: {  	s5 =	simm.s32 @p1 $0x1;
	p0 =	seq.s32 s7, s2  }
0x1e: {  	s7 =	smul.u32 @!p0 $0xF7A, s2;
	p2 =	seq.s32 @!p0 s5, $0x0  }
0x1f: {  	s9 =	smul.u32 $0xF7A, s1;
	s8 =	simm.s32 @!p0 $0x1BF5;
	p2 =	por !p2, p0  }
0x20: {  	[sflag:s8] =	ssyncset.s32 @!p0 $0xFFFFF086;
	s6 =	sadd.s32 @!p0 s3, s7;
	s7 =	simm.s32 @!p0 $0x108  }
0x21: {  	s3 =	sadd.s32 s3, s9;
	s6 =	sadd.s32 @!p0 $0x88, s6;
	s7 =	simm.s32 @p2 $0x1082  }
0x22: {  	[simem:s7], [sflag:s8] =	dma.local @!p0 [hbm:s6], $0xF7A  }
0x23: {  	s9 =	sor.u32 $0xD0000000, s2;
	s6 =	simm.s32 $0x108;
	_ =	swait.ge @!p0 [sflag:s8], $0x0  }
0x24: {  	s3 =	sadd.s32 $0x88, s3;
	s6 =	simm.s32 @!p1 $0x1082;
	[sflag:s4] =	ssyncset.s32 $0xFFFFF086  }
0x25: {  	[simem:s6], [sflag:s4] =	dma.local [hbm:s3], $0xF7A  }
0x26: {  	[smem:$0x3F9F] =	sst s1;
	(tag) =	ssettag s2;
	_ =	strace s9  }
0x27: {  	s1 =	sld [smem:$0x3FAF]  }
0x28: {  	s2 =	sld [smem:$0x3FB0]  }
0x29: {  	s4 =	sld [smem:$0x3FB2]  }
0x2a: {  	p0 =	seq.s32 s5, $0x0;
	s5 =	sld [smem:$0x3FB3]  }
0x2b: {  	s6 =	sld [smem:$0x3FB4]  }
0x2c: {  	s7 =	sld [smem:$0x3FB5]  }
0x2d: {  	s3 =	simm.s32 $0x108;
	s8 =	sld [smem:$0x3FB6]  }
0x2e: {  	s3 =	simm.s32 @!p0 $0x1082;
	s9 =	sld [smem:$0x3FB7]  }
0x2f: {  	lr =	sadd.s32 s0, s3;
	s0 =	sld [smem:$0x3FAE]  }
0x30: {  	s3 =	sld [smem:$0x3FB1]  }
0x31: {  	[smem:$0x3FBA] =	sst s10  }
0x32: {  	s10 =	sld [smem:$0x3FB8];
	_ =	sdelay $0x3  }
0x33: {  	p0 =	seq.s32 s10, $0x1;
	s10 =	sld [smem:$0x3FBA];
	_ =	sdelay $0x3  }
0x34: {  	[smem:$0x3FBA] =	sst s10  }
0x35: {  	s10 =	sld [smem:$0x3FB9];
	_ =	sdelay $0x3  }
0x36: {  	p1 =	seq.s32 s10, $0x1;
	s10 =	sld [smem:$0x3FBA];
	_ =	sdelay $0x3  }
0x37: {  	[smem:$0x3FBA] =	sst s10  }
0x38: {  	s10 =	sld [smem:$0x3FBB]  }
0x39: {  	_ = 	snop;
	(pc) =	sbr.ind lr, $3  }
0x3a: {  	_ = 	snop  }
0x3b: {  	_ = 	snop  }
0x3c: {  	p2 =	seq.s32 s10, $0x1;
	s10 =	sld [smem:$0x3FBA]  }
0x3d: {  	_ =	shalt  }
0x3e: {  	_ =	shalt  }
0x3f: {  	_ =	shalt  }
0x40: {  	_ =	shalt  }
0x41: {  	_ =	shalt  }
0x42: {  	_ =	shalt  }
0x43: {  	_ =	shalt  }
0x44: {  	_ =	shalt  }
0x45: {  	_ =	shalt  }
0x46: {  	_ =	shalt  }
0x47: {  	_ =	shalt  }
0x48: {  	_ =	shalt  }
0x49: {  	_ =	shalt  }
0x4a: {  	_ =	shalt  }
0x4b: {  	_ =	shalt  }
0x4c: {  	_ =	shalt  }
0x4d: {  	_ =	shalt  }
0x4e: {  	_ =	shalt  }
0x4f: {  	_ =	shalt  }
0x50: {  	_ =	shalt  }
0x51: {  	_ =	shalt  }
0x52: {  	_ =	shalt  }
0x53: {  	_ =	shalt  }
0x54: {  	_ =	shalt  }
0x55: {  	_ =	shalt  }
0x56: {  	_ =	shalt  }
0x57: {  	_ =	shalt  }
0x58: {  	_ =	shalt  }
0x59: {  	_ =	shalt  }
0x5a: {  	_ =	shalt  }
0x5b: {  	_ =	shalt  }
0x5c: {  	_ =	shalt  }
0x5d: {  	_ =	shalt  }
0x5e: {  	_ =	shalt  }
0x5f: {  	_ =	shalt  }
0x60: {  	_ =	shalt  }
0x61: {  	_ =	shalt  }
0x62: {  	_ =	shalt  }
0x63: {  	_ =	shalt  }
0x64: {  	_ =	shalt  }
0x65: {  	_ =	shalt  }
0x66: {  	_ =	shalt  }
0x67: {  	_ =	shalt  }
0x68: {  	_ =	shalt  }
0x69: {  	_ =	shalt  }
0x6a: {  	_ =	shalt  }
0x6b: {  	_ =	shalt  }
0x6c: {  	_ =	shalt  }
0x6d: {  	_ =	shalt  }
0x6e: {  	_ =	shalt  }
0x6f: {  	_ =	shalt  }
0x70: {  	_ =	shalt  }
0x71: {  	_ =	shalt  }
0x72: {  	_ =	shalt  }
0x73: {  	_ =	shalt  }
0x74: {  	_ =	shalt  }
0x75: {  	_ =	shalt  }
0x76: {  	_ =	shalt  }
0x77: {  	_ =	shalt  }
0x78: {  	_ =	shalt  }
0x79: {  	_ =	shalt  }
0x7a: {  	_ =	shalt  }
0x7b: {  	_ =	shalt  }
0x7c: {  	_ =	shalt  }
0x7d: {  	_ =	shalt  }
0x7e: {  	_ =	shalt  }
0x7f: {  	_ =	shalt  }
0x80: {  	_ =	shalt  }
0x81: {  	_ =	shalt  }
0x82: {  	_ =	shalt  }
0x83: {  	_ =	shalt  }
0x84: {  	_ =	shalt  }
0x85: {  	_ =	shalt  }
0x86: {  	_ =	shalt  }
0x87: {  	_ =	shalt  }
.Lfunc_end0:
.L_simem_size_0:
called_computation_lowered:
.L_overlay_start_0:
0x88: {  	s2 =	sld [smem:$0x3FD9]  }
0x89: {  	s3 =	sld [smem:$0x3FFE];
	_ =	sdelay $0x1  }
0x8a: {  	s1 =	srdreg.scid  }
0x8b: {  	s0 =	sand.u32 $0x1, s1  }
0x8c: {  	s18 =	sshll.u32 s0, $0xA;
	s2 =	sadd.s32 s3, s2  }
0x8d: {  	s2 =	sadd.s32 s2, s18  }
0x8e: {  	[smem:$0x3FC6] =	sst s2  }
0x8f: {  	_ = 	snop  }
0x90: {  	s2 =	sld [smem:$0x3FC9]  }
0x91: {  	s19 =	sld [smem:$0x3FC8]  }
0x92: {  	s4 =	sld [smem:$0x3FD0];
	(tm) =	ssettm $0x1  }
0x93: {  	s5 =	sld [smem:$0x3FFB];
	_ =	sdelay $0x3  }
0x94: {  	_ =	strace s5  }
0x95: {  	s5 =	sld [smem:$0x3FFC];
	_ =	sdelay $0x3  }
0x96: {  	_ =	strace s5  }
0x97: {  	s5 =	sld [smem:$0x3FFD];
	_ =	sdelay $0x3  }
0x98: {  	_ =	strace s5  }
0x99: {  	_ =	strace $0x8FFFFFFF  }
0x9a: {  	s20 =	sld [smem:$0x3FDB];
	_ =	sdelay $0x1  }
0x9b: {  	s6 =	simm.s32 $_scs_section_size  }
0x9c: {  	s7 =	simm.s32 $_size__tile_overlayer_lowered;
	s8 =	simm.s32 $_tile_overlayer_lowered  }
0x9d: {  	s23 =	simm.s32 $0x1BFF;
	s22 =	sshll.u32 s8, $0x1;
	s5 =	sadd.s32 s6, s20  }
0x9e: {  	s9 =	simm.s32 $0x0;
	s21 =	sshll.u32 s7, $0x1;
	s7 =	sadd.s32 s22, s5  }
0x9f: {  	[timem:s9], [sflag:s23] =	dma.local [hbm:s7], s21  }
0xa0: {  	_ =	swait.ge [sflag:s23], s21  }
0xa1: {  	s6 =	ssub.s32 $0x0, s21;
	[sflag:s23] =	ssyncset.done $0x0  }
0xa2: {  	[sflag:s23] =	ssyncadd.s32 s6;
	_ =	sdelay $0x1  }
0xa3: {  	s24 =	simm.s32 $0x1B8B  }
0xa4: {  	_ =	swait.ge [sflag:s24], $0x1  }
0xa5: {  	[sflag:s24] =	ssyncset.done $0x0  }
0xa6: {  	s25 =	simm.s32 $0x1B8E;
	[sflag:s24] =	ssyncadd.s32 $0xFFFFFFFF  }
0xa7: {  	s26 =	simm.s32 $execute0_lowered;
	[smem:$0x3FD2] =	sst s25  }
0xa8: {  	s6 =	sshll.u32 s26, $0x1;
	_ =	strace $0x80000046;
	[dreg:$0x1] =	wrdreg $0xFFFFFFFF  }
0xa9: {  	s28 =	simm.s32 $_size_execute0_lowered;
	s5 =	sadd.s32 s5, s6;
	[dreg:$0x0] =	wrdreg $0x0  }
0xaa: {  	s6 =	sshll.u32 s28, $0x1;
	[dreg:$0x2] =	wrdreg s5  }
0xab: {  	[dreg:$0x3] =	wrdreg s6  }
0xac: {  	[dreg:$0x4] =	wrdreg $0xC0  }
0xad: {  	_ =	task [dreg:s9], $0x5FFFF  }
0xae: {  	[dreg:$0x1] =	wrdreg $0xFFFFFFFF  }
0xaf: {  	[dreg:$0x0] =	wrdreg $0x60  }
0xb0: {  	[dreg:$0x2] =	wrdreg s2  }
0xb1: {  	[dreg:$0x3] =	wrdreg s19  }
0xb2: {  	[dreg:$0x4] =	wrdreg s4  }
0xb3: {  	[dreg:$0x5] =	wrdreg $0x9  }
0xb4: {  	_ =	task.clear_ibuf [dreg:s9], $0x6FFFF;
	_ =	strace $0x90000046  }
0xb5: {  	s29 =	simm.s32 $0x9;
	_ =	strace $0x80000048  }
0xb6: {  	_ =	swait.ge [sflag:s29], $0x1  }
0xb7: {  	[sflag:s29] =	ssyncadd.s32 $0xFFFFFFFF  }
0xb8: {  	_ =	strace $0x90000048  }
0xb9: {  	_ =	sfence  }
0xba: {  	s30 =	sld [smem:$0x0];
	_ =	sdelay $0x2  }
0xbb: {  	s31 =	sshll.u32 s1, $0xD;
	s1 =	sshrl.u32 s1, $0x2  }
0xbc: {  	s3 =	sand.u32 $0x4000, s31;
	s1 =	sadd.s32 s1, s30  }
0xbd: {  	s0 =	sor.u32 s3, s0;
	s1 =	sshll.u32 s1, $0x11  }
0xbe: {  	s0 =	sor.u32 s1, s0  }
0xbf: {  	s0 =	sadd.s32 $0x8F2B, s0  }
0xc0: {  	[sflag:s0] =	ssyncadd.remote.s32 $0x1  }
0xc1: {  	_ =	sfence.sel $0xFFFF  }
0xc2: {  	[dreg:$0x0] =	wrdreg $0xFFFFFFFF;
	(pc) =	sbr.abs _section_cstart, $3  }
0xc3: {  	[dreg:$0x1] =	wrdreg $0xFFFFFFFF  }
0xc4: {  	_ =	task.clear_ibuf [dreg:s9], $0x2FFFF;
	_ =	strace $0x9FFFFFFF  }
0xc5: {  	(tm) =	ssettm $0x7FFFFFFF  }
tec
execute0_lowered:
.L_overlay_start_1:
0x0: {  	(tag) =	ssettag $0x1  }
0x1: {  	s0 =	rddreg [dreg:$0x0]  }
0x2: {  	s1 =	rddreg [dreg:$0x1]  }
0x3: {  	s3 =	rddreg [dreg:$0x2];
	s2 =	srdreg.scid;
	s4 =	simm.s32 $0x0  }
0x4: {  	s11 =	stileid.u32;
	s13 =	simm.s32 $0x80;
	s14 =	simm.s32 $0x1C00  }
0x5: {  	s15 =	simm.s32 $0x5C00;
	s18 =	simm.s32 $0xDC00;
	s28 =	simm.s32 $0x9  }
0x6: {  	s29 =	simm.s32 $0xA;
	s30 =	simm.s32 $0x0;
	s2 =	sand.u32 $0x1, s2  }
0x7: {  	s6 =	sshll.u32 s11, $0x8;
	[smem:$0x7FF] =	sst s4;
	s9 =	sshll.u32 s11, $0xF  }
0x8: {  	s26 =	sshll.u32 s11, $0xC;
	s5 =	ssub.s32 $0x2, s2;
	s7 =	sshll.u32 s2, $0x7  }
0x9: {  	_ =	strace $0x80000047;
	s10 =	sshll.u32 s2, $0xE;
	s2 =	sshll.u32 s2, $0xB  }
0xa: {  	s8 =	sshrl.u32 s5, $0x1;
	s6 =	sor.u32 s7, s6;
	s24 =	sor.u32 s10, s9  }
0xb: {  	s19 =	ssub.s32 s5, s8;
	s20 =	sshll.u32 s6, $0x4;
	s22 =	sadd.s32 s0, s6  }
0xc: {  	s25 =	sor.u32 $0x80000, s24;
	s8 =	sor.u32 s2, s26;
	s26 =	simm.s32 $0x8  }
0xd: {  	s21 =	sadd.s32 s20, s3;
	[dreg:$0x6] =	wrdreg s22;
	s5 =	sadd.s32 $0x6000, s22  }
0xe: {  	s0 =	sshrl.u32 s25, $0x3;
	s31 =	smax.u32 s19, $0x1;
	[dreg:$0x7] =	wrdreg s5  }
0xf: {  	s19 =	simm.s32 $0x1;
	s20 =	simm.s32 $0x11C00;
	[dreg:$0x8] =	wrdreg s31  }
0x10: {  	s22 =	simm.s32 $0x4;
	s23 =	sadd.s32 $0x2F0000, s21;
	[dreg:$0x4] =	wrdreg s0  }
0x11: {  	s21 =	simm.s32 $0x2;
	[dreg:$0x5] =	wrdreg s23;
	s23 =	simm.s32 $0x5  }
.LBB2_1:
0x12: {  	s0 =	rddreg [dreg:$0x6];
	s2 =	simm.s32 $0x400;
	s5 =	simm.s32 $0x8000  }
0x13: {  	[tilespmem:s4], [sflag:$0xB] =	stream.strided.gather [hbm4b:s0+s2], $0x1800, s5, s2, $0x38;
	[tilespmem:$0x15C00] =	vst v63  }
0x14: {  	s7 =	rddreg [dreg:$0x7];
	s9 =	simm.s32 $0x1800;
	s10 =	simm.s32 $0xB  }
0x15: {  	[tilespmem:s9], [sflag:$0xB] =	stream.linear.gather [hbm4b:s7+s4], $0x100, $0x38;
	[tilespmem:$0x15C00] =	vst v63  }
0x16: {  	_ =	swait.ge [sflag:s10], $0x1900  }
0x17: {  	[sflag:s10] =	ssyncset.done $0x0  }
0x18: {  	[sflag:s10] =	ssyncadd.s32 $0xFFFFE700  }
0x19: {  	[tilespmem:s14], [sflag:$0x1] =	stream.indirect.gather [hbm4b:s1+s13], $0x80, s4, s13, $0xb8;
	[tilespmem:$0x15C00] =	vst v63  }
0x1a: {  	p0 =	por $0x1, $0x1  }
0x1b: {  	[tilespmem:s15], [sflag:$0x2] =	stream.indirect.gather [hbm4b:s1+s13], $0x80, s13, s13, $0xb8;
	[tilespmem:$0x15C00] =	vst v63  }
0x1c: {  	s11 =	simm.s32 $0x100;
	s12 =	simm.s32 $0x9C00;
	s0 =	simm.s32 @!p0 $0x9  }
0x1d: {  	[tilespmem:s12], [sflag:$0x3] =	stream.indirect.gather [hbm4b:s1+s13], $0x80, s11, s13, $0xb8;
	[tilespmem:$0x15C00] =	vst v63  }
0x1e: {  	_ =	swait.ge @!p0 [sflag:s0], $0x4000  }
0x1f: {  	[sflag:s0] =	ssyncset.done @!p0 $0x0  }
0x20: {  	s16 =	simm.s32 $0x180;
	[sflag:s0] =	ssyncadd.s32 @!p0 $0xFFFFC000  }
0x21: {  	[tilespmem:s18], [sflag:$0x4] =	stream.indirect.gather [hbm4b:s1+s13], $0x80, s16, s13, $0xb8;
	[tilespmem:$0x15C00] =	vst v63  }
0x22: {  	_ =	swait.ge [sflag:s19], $0x4000  }
0x23: {  	[sflag:s19] =	ssyncset.done $0x0  }
0x24: {  	s9 =	sadd.s32 s3, s8;
	s0 =	simm.s32 @!p0 $0xA;
	[sflag:s19] =	ssyncadd.s32 $0xFFFFC000  }
0x25: {  	[hbm4b:s9+s4] =	stream.linear.scatter [tilespmem:s14], [sflag:$0x6], $0x4000, $0x38;
	[tilespmem:$0x15C00] =	vst v63  }
0x26: {  	_ =	swait.ge @!p0 [sflag:s0], $0x4000  }
0x27: {  	[sflag:s0] =	ssyncset.done @!p0 $0x0  }
0x28: {  	s17 =	simm.s32 $0x200;
	[sflag:s0] =	ssyncadd.s32 @!p0 $0xFFFFC000  }
0x29: {  	[tilespmem:s20], [sflag:$0x5] =	stream.indirect.gather [hbm4b:s1+s13], $0x80, s17, s13, $0xb8;
	[tilespmem:$0x15C00] =	vst v63  }
0x2a: {  	_ =	swait.ge [sflag:s21], $0x4000  }
0x2b: {  	p0 =	por $0x0, $0x0;
	s24 =	rddreg [dreg:$0x4];
	[sflag:s21] =	ssyncset.done $0x0  }
0x2c: {  	s2 =	simm.s32 @p0 $0x3;
	[sflag:s21] =	ssyncadd.s32 $0xFFFFC000;
	s0 =	sadd.s32 s3, s24  }
0x2d: {  	[hbm4b:s0+s4] =	stream.linear.scatter [tilespmem:s15], [sflag:$0x7], $0x4000, $0x38;
	[tilespmem:$0x15C00] =	vst v63  }
0x2e: {  	_ =	swait.ge @p0 [sflag:s2], $0x4000  }
0x2f: {  	s10 =	simm.s32 @p0 $0x9C00;
	s11 =	simm.s32 @!p0 $0x6;
	[sflag:s2] =	ssyncset.done @p0 $0x0  }
0x30: {  	s0 =	rddreg [dreg:$0x5];
	[sflag:s2] =	ssyncadd.s32 @p0 $0xFFFFC000;
	s2 =	simm.s32 @p0 $0x0  }
0x31: {  	[hbm4b:s0+s2] =	stream.linear.scatter @p0 [tilespmem:s10], [sflag:$0x8], $0x4000, $0x38;
	[tilespmem:$0x15C00] =	vst v63  }
0x32: {  	_ =	swait.ge @!p0 [sflag:s11], $0x4000  }
0x33: {  	s0 =	simm.s32 @!p0 $0x280;
	s2 =	simm.s32 @!p0 $0x80;
	[sflag:s11] =	ssyncset.done @!p0 $0x0  }
0x34: {  	s10 =	simm.s32 @!p0 $0x1C00;
	[sflag:s11] =	ssyncadd.s32 @!p0 $0xFFFFC000;
	s11 =	simm.s32 @!p0 $0x3  }
0x35: {  	[tilespmem:s10], [sflag:$0x1] =	stream.indirect.gather @!p0 [hbm4b:s1+s2], $0x80, s0, s2, $0xb8;
	[tilespmem:$0x15C00] =	vst v63  }
0x36: {  	_ =	swait.ge @!p0 [sflag:s11], $0x4000  }
0x37: {  	s0 =	sadd.s32 @!p0 s3, s8;
	s10 =	simm.s32 @!p0 $0x0;
	[sflag:s11] =	ssyncset.done @!p0 $0x0  }
0x38: {  	s0 =	sadd.s32 @!p0 $0x20000, s0;
	[sflag:s11] =	ssyncadd.s32 @!p0 $0xFFFFC000;
	s11 =	simm.s32 @!p0 $0x9C00  }
0x39: {  	[hbm4b:s0+s10] =	stream.linear.scatter @!p0 [tilespmem:s11], [sflag:$0x8], $0x4000, $0x38;
	[tilespmem:$0x15C00] =	vst v63  }
0x3a: {  	s0 =	simm.s32 @!p0 $0x7  }
0x3b: {  	_ =	swait.ge @!p0 [sflag:s0], $0x4000  }
0x3c: {  	[sflag:s0] =	ssyncset.done @!p0 $0x0  }
0x3d: {  	s10 =	simm.s32 @!p0 $0x300;
	[sflag:s0] =	ssyncadd.s32 @!p0 $0xFFFFC000;
	s0 =	simm.s32 @!p0 $0x5C00  }
0x3e: {  	[tilespmem:s0], [sflag:$0x2] =	stream.indirect.gather @!p0 [hbm4b:s1+s2], $0x80, s10, s2, $0xb8;
	[tilespmem:$0x15C00] =	vst v63  }
0x3f: {  	_ =	swait.ge [sflag:s22], $0x4000  }
0x40: {  	[sflag:s22] =	ssyncset.done $0x0  }
0x41: {  	s25 =	sadd.s32 $0x30000, s9;
	s0 =	simm.s32 @!p0 $0x8;
	[sflag:s22] =	ssyncadd.s32 $0xFFFFC000  }
0x42: {  	[hbm4b:s25+s4] =	stream.linear.scatter [tilespmem:s18], [sflag:$0x9], $0x4000, $0x38;
	[tilespmem:$0x15C00] =	vst v63  }
0x43: {  	_ =	swait.ge @!p0 [sflag:s0], $0x4000  }
0x44: {  	p1 =	por $0x0, $0x0;
	s31 =	sadd.s32 $0x50000, s3;
	[sflag:s0] =	ssyncset.done @!p0 $0x0  }
0x45: {  	s9 =	sadd.s32 $0x40000, s9;
	[sflag:s0] =	ssyncadd.s32 @!p0 $0xFFFFC000;
	s0 =	simm.s32 @!p0 $0x380  }
0x46: {  	[tilespmem:s11], [sflag:$0x3] =	stream.indirect.gather @!p0 [hbm4b:s1+s2], $0x80, s0, s2, $0xb8;
	[tilespmem:$0x15C00] =	vst v63  }
0x47: {  	s0 =	simm.s32 $0xA00;
	s2 =	simm.s32 $0x1400;
	_ =	swait.ge [sflag:s23], $0x4000  }
.LBB2_2:
0x48: {  	[sflag:s23] =	ssyncset.done $0x0  }
0x49: {  	s10 =	simm.s32 @!p1 $0x9;
	[sflag:s23] =	ssyncadd.s32 $0xFFFFC000  }
0x4a: {  	[hbm4b:s9+s4] =	stream.linear.scatter [tilespmem:s20], [sflag:$0xA], $0x4000, $0x38;
	[tilespmem:$0x15C00] =	vst v63  }
0x4b: {  	_ =	swait.ge @!p1 [sflag:s10], $0x4000  }
0x4c: {  	s16 =	sshra.s32 s0, $0x2;
	[sflag:s10] =	ssyncset.done @!p1 $0x0  }
0x4d: {  	s12 =	sadd.s32 $0x180, s16;
	[sflag:s10] =	ssyncadd.s32 @!p1 $0xFFFFC000  }
0x4e: {  	[tilespmem:s18], [sflag:$0x4] =	stream.indirect.gather [hbm4b:s1+s13], $0x80, s12, s13, $0xb8;
	[tilespmem:$0x15C00] =	vst v63  }
0x4f: {  	_ =	swait.ge [sflag:s19], $0x4000  }
0x50: {  	[sflag:s19] =	ssyncset.done $0x0  }
0x51: {  	s17 =	simm.s32 @!p1 $0xA;
	s10 =	sadd.s32 s31, s8;
	[sflag:s19] =	ssyncadd.s32 $0xFFFFC000  }
0x52: {  	[hbm4b:s10+s4] =	stream.linear.scatter [tilespmem:s14], [sflag:$0x6], $0x4000, $0x38;
	[tilespmem:$0x15C00] =	vst v63  }
0x53: {  	_ =	swait.ge @!p1 [sflag:s17], $0x4000  }
0x54: {  	[sflag:s17] =	ssyncset.done @!p1 $0x0  }
0x55: {  	s16 =	sadd.s32 $0x200, s16;
	[sflag:s17] =	ssyncadd.s32 @!p1 $0xFFFFC000  }
0x56: {  	[tilespmem:s20], [sflag:$0x5] =	stream.indirect.gather [hbm4b:s1+s13], $0x80, s16, s13, $0xb8;
	[tilespmem:$0x15C00] =	vst v63  }
0x57: {  	s11 =	smov.u32 s2;
	_ =	swait.ge [sflag:s21], $0x4000  }
0x58: {  	p1 =	seq.s32 s0, $0x5A00;
	s17 =	rddreg [dreg:$0x4];
	[sflag:s21] =	ssyncset.done $0x0  }
0x59: {  	[sflag:s21] =	ssyncadd.s32 $0xFFFFC000;
	s16 =	sadd.s32 s31, s17;
	s17 =	simm.s32 @p1 $0x3  }
0x5a: {  	[hbm4b:s16+s4] =	stream.linear.scatter [tilespmem:s15], [sflag:$0x7], $0x4000, $0x38;
	[tilespmem:$0x15C00] =	vst v63  }
0x5b: {  	s0 =	sshra.s32 @!p1 s0, $0x2;
	s5 =	simm.s32 @p1 $0x9C00;
	_ =	swait.ge @p1 [sflag:s17], $0x4000  }
0x5c: {  	s12 =	simm.s32 @!p1 $0x6;
	s24 =	sadd.s32 @!p1 $0x300, s0;
	[sflag:s17] =	ssyncset.done @p1 $0x0  }
0x5d: {  	s7 =	rddreg [dreg:$0x5];
	[sflag:s17] =	ssyncadd.s32 @p1 $0xFFFFC000;
	s17 =	simm.s32 @p1 $0x0  }
0x5e: {  	[hbm4b:s7+s17] =	stream.linear.scatter @p1 [tilespmem:s5], [sflag:$0x8], $0x4000, $0x38;
	[tilespmem:$0x15C00] =	vst v63  }
0x5f: {  	s25 =	sadd.s32 @!p1 $0x380, s0;
	s16 =	sadd.s32 @!p1 $0x280, s0;
	_ =	swait.ge @!p1 [sflag:s12], $0x4000  }
0x60: {  	s0 =	smov.u32 s11;
	s11 =	simm.s32 @!p1 $0x3;
	[sflag:s12] =	ssyncset.done @!p1 $0x0  }
0x61: {  	s5 =	simm.s32 @!p1 $0x80;
	s7 =	simm.s32 @!p1 $0x1C00;
	[sflag:s12] =	ssyncadd.s32 @!p1 $0xFFFFC000  }
0x62: {  	[tilespmem:s7], [sflag:$0x1] =	stream.indirect.gather @!p1 [hbm4b:s1+s5], $0x80, s16, s5, $0xb8;
	[tilespmem:$0x15C00] =	vst v63  }
0x63: {  	s6 =	sadd.s32 @!p1 s31, s8;
	_ =	swait.ge @!p1 [sflag:s11], $0x4000  }
0x64: {  	s6 =	sadd.s32 @!p1 $0x20000, s6;
	s12 =	simm.s32 @!p1 $0x9C00;
	[sflag:s11] =	ssyncset.done @!p1 $0x0  }
0x65: {  	s7 =	simm.s32 @!p1 $0x0;
	[sflag:s11] =	ssyncadd.s32 @!p1 $0xFFFFC000;
	s11 =	simm.s32 @!p1 $0x7  }
0x66: {  	[hbm4b:s6+s7] =	stream.linear.scatter @!p1 [tilespmem:s12], [sflag:$0x8], $0x4000, $0x38;
	[tilespmem:$0x15C00] =	vst v63  }
0x67: {  	_ =	swait.ge @!p1 [sflag:s11], $0x4000  }
0x68: {  	[sflag:s11] =	ssyncset.done @!p1 $0x0  }
0x69: {  	s6 =	simm.s32 @!p1 $0x5C00;
	[sflag:s11] =	ssyncadd.s32 @!p1 $0xFFFFC000  }
0x6a: {  	[tilespmem:s6], [sflag:$0x2] =	stream.indirect.gather @!p1 [hbm4b:s1+s5], $0x80, s24, s5, $0xb8;
	[tilespmem:$0x15C00] =	vst v63  }
0x6b: {  	s2 =	sadd.s32 $0xA00, s2;
	_ =	swait.ge [sflag:s22], $0x4000  }
0x6c: {  	p0 =	sne.s32 s2, $0x6400;
	[sflag:s22] =	ssyncset.done $0x0  }
0x6d: {  	s7 =	simm.s32 @!p1 $0x8;
	s24 =	sadd.s32 $0x30000, s10;
	[sflag:s22] =	ssyncadd.s32 $0xFFFFC000  }
0x6e: {  	[hbm4b:s24+s4] =	stream.linear.scatter [tilespmem:s18], [sflag:$0x9], $0x4000, $0x38;
	[tilespmem:$0x15C00] =	vst v63  }
.Ltmp0:
0x6f: {  	_ =	swait.ge @!p1 [sflag:s7], $0x4000;
	(pc) =	sbr.rel @p0 .LBB2_2-.Ltmp0, $4  }
0x70: {  	[sflag:s7] =	ssyncset.done @!p1 $0x0  }
0x71: {  	s9 =	sadd.s32 $0x40000, s10;
	[sflag:s7] =	ssyncadd.s32 @!p1 $0xFFFFC000  }
0x72: {  	[tilespmem:s12], [sflag:$0x3] =	stream.indirect.gather @!p1 [hbm4b:s1+s5], $0x80, s25, s5, $0xb8;
	[tilespmem:$0x15C00] =	vst v63  }
0x73: {  	s31 =	sadd.s32 $0x50000, s31;
	p1 =	seq.s32 s0, $0x0;
	_ =	swait.ge [sflag:s23], $0x4000  }
0x74: {  	[sflag:s23] =	ssyncset.done $0x0  }
0x75: {  	s2 =	simm.s32 @!p1 $0x9;
	[sflag:s23] =	ssyncadd.s32 $0xFFFFC000  }
0x76: {  	[hbm4b:s9+s4] =	stream.linear.scatter [tilespmem:s20], [sflag:$0xA], $0x4000, $0x38;
	[tilespmem:$0x15C00] =	vst v63  }
0x77: {  	_ =	swait.ge @!p1 [sflag:s2], $0x4000  }
0x78: {  	s5 =	sshra.s32 s0, $0x2;
	[sflag:s2] =	ssyncset.done @!p1 $0x0  }
0x79: {  	s6 =	sadd.s32 $0x180, s5;
	[sflag:s2] =	ssyncadd.s32 @!p1 $0xFFFFC000  }
0x7a: {  	[tilespmem:s18], [sflag:$0x4] =	stream.indirect.gather [hbm4b:s1+s13], $0x80, s6, s13, $0xb8;
	[tilespmem:$0x15C00] =	vst v63  }
0x7b: {  	_ =	swait.ge [sflag:s19], $0x4000  }
0x7c: {  	[sflag:s19] =	ssyncset.done $0x0  }
0x7d: {  	s11 =	sadd.s32 s31, s8;
	s6 =	simm.s32 @!p1 $0xA;
	[sflag:s19] =	ssyncadd.s32 $0xFFFFC000  }
0x7e: {  	[hbm4b:s11+s4] =	stream.linear.scatter [tilespmem:s14], [sflag:$0x6], $0x4000, $0x38;
	[tilespmem:$0x15C00] =	vst v63  }
0x7f: {  	_ =	swait.ge @!p1 [sflag:s6], $0x4000  }
0x80: {  	[sflag:s6] =	ssyncset.done @!p1 $0x0  }
0x81: {  	s5 =	sadd.s32 $0x200, s5;
	[sflag:s6] =	ssyncadd.s32 @!p1 $0xFFFFC000  }
0x82: {  	[tilespmem:s20], [sflag:$0x5] =	stream.indirect.gather [hbm4b:s1+s13], $0x80, s5, s13, $0xb8;
	[tilespmem:$0x15C00] =	vst v63  }
0x83: {  	_ =	swait.ge [sflag:s21], $0x4000  }
0x84: {  	p0 =	seq.s32 s0, $0x5A00;
	s12 =	rddreg [dreg:$0x4];
	[sflag:s21] =	ssyncset.done $0x0  }
0x85: {  	s6 =	simm.s32 @p0 $0x3;
	[sflag:s21] =	ssyncadd.s32 $0xFFFFC000;
	s5 =	sadd.s32 s31, s12  }
0x86: {  	[hbm4b:s5+s4] =	stream.linear.scatter [tilespmem:s15], [sflag:$0x7], $0x4000, $0x38;
	[tilespmem:$0x15C00] =	vst v63  }
0x87: {  	_ =	swait.ge @p0 [sflag:s6], $0x4000  }
0x88: {  	s7 =	simm.s32 @p0 $0x9C00;
	[sflag:s6] =	ssyncset.done @p0 $0x0  }
0x89: {  	s5 =	rddreg [dreg:$0x5];
	[sflag:s6] =	ssyncadd.s32 @p0 $0xFFFFC000;
	s6 =	simm.s32 @p0 $0x0  }
0x8a: {  	[hbm4b:s5+s6] =	stream.linear.scatter @p0 [tilespmem:s7], [sflag:$0x8], $0x4000, $0x38;
	[tilespmem:$0x15C00] =	vst v63  }
0x8b: {  	s5 =	simm.s32 @!p0 $0x6  }
0x8c: {  	s0 =	sshra.s32 @!p0 s0, $0x2;
	_ =	swait.ge @!p0 [sflag:s5], $0x4000  }
0x8d: {  	s6 =	sadd.s32 @!p0 $0x280, s0;
	[sflag:s5] =	ssyncset.done @!p0 $0x0  }
0x8e: {  	s7 =	simm.s32 @!p0 $0x80;
	[sflag:s5] =	ssyncadd.s32 @!p0 $0xFFFFC000;
	s5 =	simm.s32 @!p0 $0x1C00  }
0x8f: {  	[tilespmem:s5], [sflag:$0x1] =	stream.indirect.gather @!p0 [hbm4b:s1+s7], $0x80, s6, s7, $0xb8;
	[tilespmem:$0x15C00] =	vst v63  }
0x90: {  	s5 =	simm.s32 @!p0 $0x3  }
0x91: {  	_ =	swait.ge @!p0 [sflag:s5], $0x4000  }
0x92: {  	s9 =	simm.s32 @!p0 $0x0;
	s6 =	sadd.s32 @!p0 s31, s8;
	[sflag:s5] =	ssyncset.done @!p0 $0x0  }
0x93: {  	s6 =	sadd.s32 @!p0 $0x20000, s6;
	[sflag:s5] =	ssyncadd.s32 @!p0 $0xFFFFC000;
	s5 =	simm.s32 @!p0 $0x9C00  }
0x94: {  	[hbm4b:s6+s9] =	stream.linear.scatter @!p0 [tilespmem:s5], [sflag:$0x8], $0x4000, $0x38;
	[tilespmem:$0x15C00] =	vst v63  }
0x95: {  	s6 =	simm.s32 @!p0 $0x7  }
0x96: {  	_ =	swait.ge @!p0 [sflag:s6], $0x4000  }
0x97: {  	[sflag:s6] =	ssyncset.done @!p0 $0x0  }
0x98: {  	s9 =	sadd.s32 @!p0 $0x300, s0;
	[sflag:s6] =	ssyncadd.s32 @!p0 $0xFFFFC000;
	s6 =	simm.s32 @!p0 $0x5C00  }
0x99: {  	[tilespmem:s6], [sflag:$0x2] =	stream.indirect.gather @!p0 [hbm4b:s1+s7], $0x80, s9, s7, $0xb8;
	[tilespmem:$0x15C00] =	vst v63  }
0x9a: {  	_ =	swait.ge [sflag:s22], $0x4000  }
0x9b: {  	[sflag:s22] =	ssyncset.done $0x0  }
0x9c: {  	s16 =	sadd.s32 $0x30000, s11;
	s6 =	simm.s32 @!p0 $0x8;
	[sflag:s22] =	ssyncadd.s32 $0xFFFFC000  }
0x9d: {  	[hbm4b:s16+s4] =	stream.linear.scatter [tilespmem:s18], [sflag:$0x9], $0x4000, $0x38;
	[tilespmem:$0x15C00] =	vst v63  }
0x9e: {  	_ =	swait.ge @!p0 [sflag:s6], $0x4000  }
0x9f: {  	[sflag:s6] =	ssyncset.done @!p0 $0x0  }
0xa0: {  	s0 =	sadd.s32 @!p0 $0x380, s0;
	[sflag:s6] =	ssyncadd.s32 @!p0 $0xFFFFC000  }
0xa1: {  	[tilespmem:s5], [sflag:$0x3] =	stream.indirect.gather @!p0 [hbm4b:s1+s7], $0x80, s0, s7, $0xb8;
	[tilespmem:$0x15C00] =	vst v63  }
0xa2: {  	_ =	swait.ge [sflag:s23], $0x4000  }
0xa3: {  	[sflag:s23] =	ssyncset.done $0x0  }
0xa4: {  	s24 =	simm.s32 $0x6;
	s17 =	sadd.s32 $0x40000, s11;
	[sflag:s23] =	ssyncadd.s32 $0xFFFFC000  }
0xa5: {  	[hbm4b:s17+s4] =	stream.linear.scatter [tilespmem:s20], [sflag:$0xA], $0x4000, $0x38;
	[tilespmem:$0x15C00] =	vst v63  }
0xa6: {  	_ =	swait.ge [sflag:s24], $0x4000  }
0xa7: {  	[sflag:s24] =	ssyncset.done $0x0  }
0xa8: {  	s25 =	simm.s32 $0x7;
	[sflag:s24] =	ssyncadd.s32 $0xFFFFC000  }
0xa9: {  	_ =	swait.ge [sflag:s25], $0x4000  }
0xaa: {  	[sflag:s25] =	ssyncset.done $0x0  }
0xab: {  	[sflag:s25] =	ssyncadd.s32 $0xFFFFC000  }
0xac: {  	_ =	swait.ge [sflag:s26], $0x4000  }
0xad: {  	[sflag:s26] =	ssyncset.done $0x0  }
0xae: {  	[sflag:s26] =	ssyncadd.s32 $0xFFFFC000  }
0xaf: {  	_ =	swait.ge [sflag:s28], $0x4000  }
0xb0: {  	[sflag:s28] =	ssyncset.done $0x0  }
0xb1: {  	[sflag:s28] =	ssyncadd.s32 $0xFFFFC000  }
0xb2: {  	_ =	swait.ge [sflag:s29], $0x4000  }
0xb3: {  	s30 =	sadd.s32 $0x1, s30;
	s31 =	rddreg [dreg:$0x8]  }
0xb4: {  	p0 =	sne.s32 s30, s31  }
.Ltmp1:
0xb5: {  	_ = 	snop;
	(pc) =	sbr.rel @p0 .LBB2_1-.Ltmp1, $3  }
0xb6: {  	_ =	sdelay $0x1  }
0xb7: {  	[sflag:s29] =	ssyncset.done $0x0  }
0xb8: {  	[sflag:s29] =	ssyncadd.s32 $0xFFFFC000  }
0xb9: {  	_ =	sfence.sel $0x180000  }
0xba: {  	[bflag:$0x0] =	sbarrier.arrive $0xFFFF  }
0xbb: {  	_ =	strace $0x90000047  }
0xbc: {  	s0 =	stileid.u32;
	[bflag:$0x2] =	sbarrier.arrive $0xFFFF  }
0xbd: {  	p0 =	sne.s32 s0, $0x0;
	s0 =	rddreg [dreg:$0x3]  }
0xbe: {  	s0 =	sadd.s32 @!p0 $0x100000, s0  }
0xbf: {  	[sflag:s0] =	ssyncadd.tile.s32 @!p0 $0x1;
	_ =	shalt  }
.Lfunc_end2:
_tile_overlayer_lowered:
.L_overlay_start_2:
0xc0: {  	(tag) =	ssettag $0x2  }
0xc1: {  	s0 =	rddreg [dreg:$0x0];
	s2 =	stileid.u32  }
0xc2: {  	s1 =	rddreg [dreg:$0x1];
	p0 =	sne.s32 s2, $0x0  }
0xc3: {  	s3 =	rddreg [dreg:$0x2];
	[bflag:$0x3] =	sbarrier.arrive $0xFFFF;
	s2 =	simm.s32 @!p0 $0x1C0B  }
0xc4: {  	[timem:s3], [sflag:s2] =	dma.local @!p0 [hbm:s0], s1  }
0xc5: {  	s0 =	simm.s32 @!p0 $0xB  }
0xc6: {  	_ =	swait.ge @!p0 [sflag:s0], s1  }
0xc7: {  	s1 =	ssub.s32 @!p0 $0x0, s1;
	[sflag:s0] =	ssyncset.done @!p0 $0x0  }
0xc8: {  	[sflag:s0] =	ssyncadd.s32 @!p0 s1  }
0xc9: {  	[bflag:$0x3] =	sbarrier.arrive $0xFFFF  }
0xca: {  	_ =	shalt  }

</sc_bundles>
